<compile_context>
chip_gen: v7x
topology: tpu7x:2x2x1
jax: 0.10.2.dev20260603
libtpu: 0.0.44.dev20260713+nightly
codegen_flags: <defaults>
</compile_context>

<pallas_src>
import functools

import jax
import jax.numpy as jnp
import numpy as np
from jax.experimental import pallas as pl
from jax.experimental.pallas import tpu as pltpu
from jax.experimental.pallas import tpu_sc as plsc

_D = 64
_SEQ = 200
_SCALE = 8.0

_CHUNK = 128
_PAIR_D = 128


def _pe_table() -> np.ndarray:
    half = _D / 2
    positions = np.arange(_SEQ)[:, np.newaxis]
    depths = np.arange(half)[np.newaxis, :] / half
    angle_rads = positions * (1.0 / 10000**depths)
    return np.concatenate(
        [np.sin(angle_rads), np.cos(angle_rads)], axis=-1
    ).astype(np.float32)


_FMT_V = 8192


def _fmt_body(tT_ref, o_ref):
    blk = tT_ref[...]
    tr = jnp.transpose(blk)
    r3 = tr.reshape(_FMT_V // 2, 2, _D)
    o_ref[:, :_D] = r3[:, 0, :]
    o_ref[:, _D:] = r3[:, 1, :]


def _tc_format(tT):
    v = tT.shape[1]
    return pl.pallas_call(
        _fmt_body,
        grid=(pl.cdiv(v, _FMT_V),),
        in_specs=[pl.BlockSpec((_D, _FMT_V), lambda i: (0, i))],
        out_specs=pl.BlockSpec((_FMT_V // 2, 2 * _D), lambda i: (i, 0)),
        out_shape=jax.ShapeDtypeStruct((v // 2, 2 * _D), jnp.float32),
    )(tT)


def _sc_gather(table2, idx):
    n = idx.shape[1]
    nw = 32
    per_w = n // nw
    nchunks = per_w // _CHUNK
    mesh = plsc.VectorSubcoreMesh(core_axis_name="core", subcore_axis_name="subcore")

    @functools.partial(
        pl.kernel,
        out_type=jax.ShapeDtypeStruct((n, _PAIR_D), table2.dtype),
        mesh=mesh,
        scratch_types=[
            pltpu.VMEM((1, per_w), jnp.int32),
            pltpu.VMEM((_CHUNK, _PAIR_D), jnp.float32),
            pltpu.VMEM((_CHUNK, _PAIR_D), jnp.float32),
            pltpu.SemaphoreType.DMA,
            pltpu.SemaphoreType.DMA,
            pltpu.SemaphoreType.DMA,
            pltpu.SemaphoreType.DMA,
        ],
        compiler_params=pltpu.CompilerParams(use_tc_tiling_on_sc=False),
    )
    def k(table_hbm, i_hbm, o_hbm, idx_v, bufa, bufb, sga, sgb, swa, swb):
        wid = jax.lax.axis_index("core") * 16 + jax.lax.axis_index("subcore")
        base = wid * per_w
        pltpu.sync_copy(i_hbm.at[:, pl.ds(base, per_w)], idx_v)

        def g_start(c, buf, sem):
            pltpu.async_copy(
                table_hbm.at[idx_v.at[0, pl.ds(c * _CHUNK, _CHUNK)]], buf, sem
            )

        def g_wait(buf, sem):
            pltpu.make_async_copy(
                table_hbm.at[idx_v.at[0, pl.ds(0, _CHUNK)]], buf, sem
            ).wait()

        def w_start(c, buf, sem):
            pltpu.async_copy(buf, o_hbm.at[pl.ds(base + c * _CHUNK, _CHUNK)], sem)

        def w_wait(buf, sem):
            pltpu.make_async_copy(buf, o_hbm.at[pl.ds(base, _CHUNK)], sem).wait()

        g_start(0, bufa, sga)
        g_start(1, bufb, sgb)

        @pl.loop(0, nchunks, step=2)
        def _(c):
            g_wait(bufa, sga)
            w_start(c, bufa, swa)
            g_wait(bufb, sgb)
            w_start(c + 1, bufb, swb)

            @pl.when(c + 2 < nchunks)
            def _():
                w_wait(bufa, swa)
                g_start(c + 2, bufa, sga)

            @pl.when(c + 3 < nchunks)
            def _():
                w_wait(bufb, swb)
                g_start(c + 3, bufb, sgb)

        w_wait(bufa, swa)
        w_wait(bufb, swb)

    return k(table2, idx)


_L_CHUNK = 8


def _fixup_body(g_ref, par_ref, pe_ref, o_ref, *, b):
    gb = g_ref[...].reshape(_L_CHUNK, b, _PAIR_D)
    tr = jnp.transpose(gb, (0, 2, 1))
    lo = tr[:, :_D, :]
    hi = tr[:, _D:, :]
    par = (par_ref[...] != 0)[:, None, :]
    pe = pe_ref[...][:, :, None]
    o_ref[...] = jnp.where(par, hi, lo) * _SCALE + pe


def _tc_fixup(g, par, pe, b):
    return pl.pallas_call(
        functools.partial(_fixup_body, b=b),
        grid=(_SEQ // _L_CHUNK,),
        in_specs=[
            pl.BlockSpec((_L_CHUNK * b, _PAIR_D), lambda i: (i, 0)),
            pl.BlockSpec((_L_CHUNK, b), lambda i: (i, 0)),
            pl.BlockSpec((_L_CHUNK, _D), lambda i: (i, 0)),
        ],
        out_specs=pl.BlockSpec((_L_CHUNK, _D, b), lambda i: (i, 0, 0)),
        out_shape=jax.ShapeDtypeStruct((_SEQ, _D, b), jnp.float32),
    )(g, par, pe)


def kernel(x, table):
    b, l = x.shape
    xt = x.T.astype(jnp.int32)
    idx2 = (xt >> 1).reshape(1, b * l)
    par = xt & 1
    table2 = _tc_format(table.T)
    g = _sc_gather(table2, idx2)
    pe = jnp.asarray(_pe_table())
    out3 = _tc_fixup(g, par, pe, b)
    return out3.transpose(2, 0, 1)

# --- scband reference (transcript-rebuilt; emitter-appended) ---
"""Pipeline reference for scband-positional-embedding-76991583748450 (READ-ONLY COPY).

The authoritative reference and input builder live on the scoring server;
editing this copy changes nothing except your own understanding.
"""

import jax, jax.numpy as jnp
import numpy as np

VOCAB_SIZE = 1000000
D_MODEL = 64
BATCH = 1024
SEQ = 200
PE_LEN = 2048


def positional_encoding(length, depth):
    half_depth = depth / 2
    positions = np.arange(length)[:, np.newaxis]
    depths = np.arange(half_depth)[np.newaxis, :] / half_depth
    angle_rates = 1 / 10000 ** depths
    angle_rads = positions * angle_rates
    pos_encoding = np.concatenate([np.sin(angle_rads), np.cos(angle_rads)], axis=-1)
    return jnp.asarray(pos_encoding, dtype=jnp.float32)


def setup_inputs(seed: int = 0) -> dict:
    key = jax.random.key(seed)
    k1, k2 = jax.random.split(key)
    x = jax.random.randint(k1, (BATCH, SEQ), 0, VOCAB_SIZE, dtype=jnp.int64 if jax.config.jax_enable_x64 else jnp.int32)
    # Embedding table (keras Embedding default uniform init ~ U(-0.05, 0.05))
    table = jax.random.uniform(k2, (VOCAB_SIZE, D_MODEL), dtype=jnp.float32, minval=-0.05, maxval=0.05)
    return {"x": x, "table": table}


def reference(x, table) -> jnp.ndarray:
    pos_encoding = positional_encoding(PE_LEN, D_MODEL)
    length = x.shape[1]
    emb = jnp.take(table, x, axis=0)  # gather: [B, L, d_model]
    emb = emb * jnp.sqrt(jnp.asarray(D_MODEL, dtype=jnp.float32))
    out = emb + pos_encoding[jnp.newaxis, :length, :]
    return out

if __name__ == "__main__":
    import jax
    _d = setup_inputs()
    print(jax.jit(kernel)(*tuple(_d.values())))

</pallas_src>

<mosaic_0001>
#map = affine_map<(d0, d1) -> (0, 0)>
module attributes {stable_mosaic.version = 14 : i64} {
  func.func @k(%arg0: i32, %arg1: i32, %arg2: memref<500000x128xf32, #tpu.memory_space<hbm>>, %arg3: memref<1x204800xi32, #tpu.memory_space<hbm>>, %arg4: memref<204800x128xf32, #tpu.memory_space<hbm>>, %arg5: memref<1x6400xi32, #tpu.memory_space<vmem>>, %arg6: memref<128x128xf32, #tpu.memory_space<vmem>>, %arg7: memref<128x128xf32, #tpu.memory_space<vmem>>, %arg8: memref<!tpu.dma_semaphore, #tpu.memory_space<semaphore_mem>>, %arg9: memref<!tpu.dma_semaphore, #tpu.memory_space<semaphore_mem>>, %arg10: memref<!tpu.dma_semaphore, #tpu.memory_space<semaphore_mem>>, %arg11: memref<!tpu.dma_semaphore, #tpu.memory_space<semaphore_mem>>) attributes {dimension_semantics = [#tpu.dimension_semantics<core_parallel>, #tpu.dimension_semantics<subcore_parallel>], iteration_bounds = array<i64: 2, 16>, scalar_prefetch = 0 : i64, scratch_operands = 7 : i64, tpu.core_type = #tpu.core_type<sc_vector_subcore>, window_params = [{transform_indices = #map}, {transform_indices = #map}, {transform_indices = #map}]} {
    %mul3A = arith.constant 16 : i32
    %mul3A_0 = arith.muli %arg0, %mul3A : i32
    %add3A = arith.addi %mul3A_0, %arg1 : i32
    %mul3A_1 = arith.constant 6400 : i32
    %mul3A_2 = arith.muli %add3A, %mul3A_1 : i32
    "tpu.region"() ({
      %run_scoped3A = tpu.sem_alloc : memref<!tpu.dma_semaphore, #tpu.memory_space<semaphore_mem>>
      %dma_start3A_27 = arith.constant 0 : i32
      %dma_start3A_28 = tpu.memref_slice %arg3[%dma_start3A_27, %mul3A_2] : memref<1x204800xi32, #tpu.memory_space<hbm>> -> memref<1x6400xi32, #tpu.memory_space<hbm>>
      %dma_start3A_29 = arith.constant 0 : i32
      %dma_start3A_30 = tpu.memref_slice %arg3[%dma_start3A_29, %mul3A_2] : memref<1x204800xi32, #tpu.memory_space<hbm>> -> memref<1x6400xi32, #tpu.memory_space<hbm>>
      tpu.enqueue_dma source(%dma_start3A_30 : memref<1x6400xi32, #tpu.memory_space<hbm>>) target(%arg5 : memref<1x6400xi32, #tpu.memory_space<vmem>>) target_semaphore(%run_scoped3A : memref<!tpu.dma_semaphore, #tpu.memory_space<semaphore_mem>>)
      %dma_wait3A_31 = arith.constant 0 : i32
      %dma_wait3A_32 = tpu.memref_slice %arg3[%dma_wait3A_31, %mul3A_2] : memref<1x204800xi32, #tpu.memory_space<hbm>> -> memref<1x6400xi32, #tpu.memory_space<hbm>>
      %dma_wait3A_33 = arith.constant 0 : i32
      %dma_wait3A_34 = tpu.memref_slice %arg3[%dma_wait3A_33, %mul3A_2] : memref<1x204800xi32, #tpu.memory_space<hbm>> -> memref<1x6400xi32, #tpu.memory_space<hbm>>
      tpu.wait_dma2 semaphore(%run_scoped3A : memref<!tpu.dma_semaphore, #tpu.memory_space<semaphore_mem>>) src(%dma_wait3A_34 : memref<1x6400xi32, #tpu.memory_space<hbm>>) dst(%arg5 : memref<1x6400xi32, #tpu.memory_space<vmem>>)
      tpu.yield
    }) : () -> ()
    %dma_start3A = arith.constant 0 : i32
    %dma_start3A_3 = arith.constant 0 : i32
    %dma_start3A_4 = tpu.memref_slice %arg5[%dma_start3A, %dma_start3A_3] : memref<1x6400xi32, #tpu.memory_space<vmem>> -> memref<1x128xi32, #tpu.memory_space<vmem>>
    %dma_start3A_5 = tpu.memref_squeeze %dma_start3A_4 : memref<1x128xi32, #tpu.memory_space<vmem>> -> memref<128xi32, #tpu.memory_space<vmem>>
    %dma_start3A_6 = arith.constant 0 : i32
    %dma_start3A_7 = arith.constant 0 : i32
    %dma_start3A_8 = tpu.memref_slice %arg2[%dma_start3A_6, %dma_start3A_7] : memref<500000x128xf32, #tpu.memory_space<hbm>> -> memref<500000x128xf32, #tpu.memory_space<hbm>>
    tpu.enqueue_indirect_dma source(%dma_start3A_8 : memref<500000x128xf32, #tpu.memory_space<hbm>>) target(%arg6 : memref<128x128xf32, #tpu.memory_space<vmem>>) offsets(%dma_start3A_5 : memref<128xi32, #tpu.memory_space<vmem>>) semaphore(%arg8 : memref<!tpu.dma_semaphore, #tpu.memory_space<semaphore_mem>>)
    %dma_start3A_9 = arith.constant 0 : i32
    %dma_start3A_10 = arith.constant 128 : i32
    %dma_start3A_11 = tpu.memref_slice %arg5[%dma_start3A_9, %dma_start3A_10] : memref<1x6400xi32, #tpu.memory_space<vmem>> -> memref<1x128xi32, #tpu.memory_space<vmem>>
    %dma_start3A_12 = tpu.memref_squeeze %dma_start3A_11 : memref<1x128xi32, #tpu.memory_space<vmem>> -> memref<128xi32, #tpu.memory_space<vmem>>
    %dma_start3A_13 = arith.constant 0 : i32
    %dma_start3A_14 = arith.constant 0 : i32
    %dma_start3A_15 = tpu.memref_slice %arg2[%dma_start3A_13, %dma_start3A_14] : memref<500000x128xf32, #tpu.memory_space<hbm>> -> memref<500000x128xf32, #tpu.memory_space<hbm>>
    tpu.enqueue_indirect_dma source(%dma_start3A_15 : memref<500000x128xf32, #tpu.memory_space<hbm>>) target(%arg7 : memref<128x128xf32, #tpu.memory_space<vmem>>) offsets(%dma_start3A_12 : memref<128xi32, #tpu.memory_space<vmem>>) semaphore(%arg9 : memref<!tpu.dma_semaphore, #tpu.memory_space<semaphore_mem>>)
    %scan3A = arith.constant 0 : i32
    %scan3A_16 = arith.constant 25 : i32
    %scan3A_17 = arith.addi %scan3A, %scan3A_16 : i32
    %scan3A_18 = arith.constant 1 : i32
    scf.for %scan3A_27 = %scan3A to %scan3A_17 step %scan3A_18  : i32 {
      %mul3A_28 = arith.constant 2 : i32
      %mul3A_29 = arith.muli %scan3A_27, %mul3A_28 : i32
      %add3A_30 = arith.constant 0 : i32
      %add3A_31 = arith.addi %add3A_30, %mul3A_29 : i32
      %dma_wait3A_32 = arith.constant 0 : i32
      %dma_wait3A_33 = arith.constant 0 : i32
      %dma_wait3A_34 = tpu.memref_slice %arg5[%dma_wait3A_32, %dma_wait3A_33] : memref<1x6400xi32, #tpu.memory_space<vmem>> -> memref<1x128xi32, #tpu.memory_space<vmem>>
      %dma_wait3A_35 = tpu.memref_squeeze %dma_wait3A_34 : memref<1x128xi32, #tpu.memory_space<vmem>> -> memref<128xi32, #tpu.memory_space<vmem>>
      %dma_wait3A_36 = arith.constant 0 : i32
      %dma_wait3A_37 = arith.constant 0 : i32
      %dma_wait3A_38 = tpu.memref_slice %arg2[%dma_wait3A_36, %dma_wait3A_37] : memref<500000x128xf32, #tpu.memory_space<hbm>> -> memref<500000x128xf32, #tpu.memory_space<hbm>>
      tpu.wait_indirect_dma semaphore(%arg8 : memref<!tpu.dma_semaphore, #tpu.memory_space<semaphore_mem>>) src(%dma_wait3A_38 : memref<500000x128xf32, #tpu.memory_space<hbm>>) dst(%arg6 : memref<128x128xf32, #tpu.memory_space<vmem>>)
      %mul3A_39 = arith.constant 128 : i32
      %mul3A_40 = arith.muli %add3A_31, %mul3A_39 : i32
      %add3A_41 = arith.addi %mul3A_2, %mul3A_40 : i32
      %dma_start3A_42 = arith.constant 0 : i32
      %dma_start3A_43 = tpu.memref_slice %arg4[%add3A_41, %dma_start3A_42] : memref<204800x128xf32, #tpu.memory_space<hbm>> -> memref<128x128xf32, #tpu.memory_space<hbm>>
      %dma_start3A_44 = arith.constant 0 : i32
      %dma_start3A_45 = tpu.memref_slice %arg4[%add3A_41, %dma_start3A_44] : memref<204800x128xf32, #tpu.memory_space<hbm>> -> memref<128x128xf32, #tpu.memory_space<hbm>>
      tpu.enqueue_dma source(%arg6 : memref<128x128xf32, #tpu.memory_space<vmem>>) target(%dma_start3A_45 : memref<128x128xf32, #tpu.memory_space<hbm>>) target_semaphore(%arg10 : memref<!tpu.dma_semaphore, #tpu.memory_space<semaphore_mem>>)
      %dma_wait3A_46 = arith.constant 0 : i32
      %dma_wait3A_47 = arith.constant 0 : i32
      %dma_wait3A_48 = tpu.memref_slice %arg5[%dma_wait3A_46, %dma_wait3A_47] : memref<1x6400xi32, #tpu.memory_space<vmem>> -> memref<1x128xi32, #tpu.memory_space<vmem>>
      %dma_wait3A_49 = tpu.memref_squeeze %dma_wait3A_48 : memref<1x128xi32, #tpu.memory_space<vmem>> -> memref<128xi32, #tpu.memory_space<vmem>>
      %dma_wait3A_50 = arith.constant 0 : i32
      %dma_wait3A_51 = arith.constant 0 : i32
      %dma_wait3A_52 = tpu.memref_slice %arg2[%dma_wait3A_50, %dma_wait3A_51] : memref<500000x128xf32, #tpu.memory_space<hbm>> -> memref<500000x128xf32, #tpu.memory_space<hbm>>
      tpu.wait_indirect_dma semaphore(%arg9 : memref<!tpu.dma_semaphore, #tpu.memory_space<semaphore_mem>>) src(%dma_wait3A_52 : memref<500000x128xf32, #tpu.memory_space<hbm>>) dst(%arg7 : memref<128x128xf32, #tpu.memory_space<vmem>>)
      %add3A_53 = arith.constant 1 : i32
      %add3A_54 = arith.addi %add3A_31, %add3A_53 : i32
      %mul3A_55 = arith.constant 128 : i32
      %mul3A_56 = arith.muli %add3A_54, %mul3A_55 : i32
      %add3A_57 = arith.addi %mul3A_2, %mul3A_56 : i32
      %dma_start3A_58 = arith.constant 0 : i32
      %dma_start3A_59 = tpu.memref_slice %arg4[%add3A_57, %dma_start3A_58] : memref<204800x128xf32, #tpu.memory_space<hbm>> -> memref<128x128xf32, #tpu.memory_space<hbm>>
      %dma_start3A_60 = arith.constant 0 : i32
      %dma_start3A_61 = tpu.memref_slice %arg4[%add3A_57, %dma_start3A_60] : memref<204800x128xf32, #tpu.memory_space<hbm>> -> memref<128x128xf32, #tpu.memory_space<hbm>>
      tpu.enqueue_dma source(%arg7 : memref<128x128xf32, #tpu.memory_space<vmem>>) target(%dma_start3A_61 : memref<128x128xf32, #tpu.memory_space<hbm>>) target_semaphore(%arg11 : memref<!tpu.dma_semaphore, #tpu.memory_space<semaphore_mem>>)
      %add3A_62 = arith.constant 2 : i32
      %add3A_63 = arith.addi %add3A_31, %add3A_62 : i32
      %lt3A = arith.constant 50 : i32
      %lt3A_64 = arith.cmpi slt, %add3A_63, %lt3A : i32
      %convert_element_type3A = arith.extui %lt3A_64 : i1 to i32
      %cond3A = arith.constant 0 : i32
      %cond3A_65 = arith.cmpi ne, %convert_element_type3A, %cond3A : i32
      scf.if %cond3A_65 {
        %dma_wait3A_73 = arith.constant 0 : i32
        %dma_wait3A_74 = tpu.memref_slice %arg4[%mul3A_2, %dma_wait3A_73] : memref<204800x128xf32, #tpu.memory_space<hbm>> -> memref<128x128xf32, #tpu.memory_space<hbm>>
        %dma_wait3A_75 = arith.constant 0 : i32
        %dma_wait3A_76 = tpu.memref_slice %arg4[%mul3A_2, %dma_wait3A_75] : memref<204800x128xf32, #tpu.memory_space<hbm>> -> memref<128x128xf32, #tpu.memory_space<hbm>>
        tpu.wait_dma2 semaphore(%arg10 : memref<!tpu.dma_semaphore, #tpu.memory_space<semaphore_mem>>) src(%arg6 : memref<128x128xf32, #tpu.memory_space<vmem>>) dst(%dma_wait3A_76 : memref<128x128xf32, #tpu.memory_space<hbm>>)
        %add3A_77 = arith.constant 2 : i32
        %add3A_78 = arith.addi %add3A_31, %add3A_77 : i32
        %mul3A_79 = arith.constant 128 : i32
        %mul3A_80 = arith.muli %add3A_78, %mul3A_79 : i32
        %dma_start3A_81 = arith.constant 0 : i32
        %dma_start3A_82 = tpu.memref_slice %arg5[%dma_start3A_81, %mul3A_80] : memref<1x6400xi32, #tpu.memory_space<vmem>> -> memref<1x128xi32, #tpu.memory_space<vmem>>
        %dma_start3A_83 = tpu.memref_squeeze %dma_start3A_82 : memref<1x128xi32, #tpu.memory_space<vmem>> -> memref<128xi32, #tpu.memory_space<vmem>>
        %dma_start3A_84 = arith.constant 0 : i32
        %dma_start3A_85 = arith.constant 0 : i32
        %dma_start3A_86 = tpu.memref_slice %arg2[%dma_start3A_84, %dma_start3A_85] : memref<500000x128xf32, #tpu.memory_space<hbm>> -> memref<500000x128xf32, #tpu.memory_space<hbm>>
        tpu.enqueue_indirect_dma source(%dma_start3A_86 : memref<500000x128xf32, #tpu.memory_space<hbm>>) target(%arg6 : memref<128x128xf32, #tpu.memory_space<vmem>>) offsets(%dma_start3A_83 : memref<128xi32, #tpu.memory_space<vmem>>) semaphore(%arg8 : memref<!tpu.dma_semaphore, #tpu.memory_space<semaphore_mem>>)
      } else {
      }
      %add3A_66 = arith.constant 3 : i32
      %add3A_67 = arith.addi %add3A_31, %add3A_66 : i32
      %lt3A_68 = arith.constant 50 : i32
      %lt3A_69 = arith.cmpi slt, %add3A_67, %lt3A_68 : i32
      %convert_element_type3A_70 = arith.extui %lt3A_69 : i1 to i32
      %cond3A_71 = arith.constant 0 : i32
      %cond3A_72 = arith.cmpi ne, %convert_element_type3A_70, %cond3A_71 : i32
      scf.if %cond3A_72 {
        %dma_wait3A_73 = arith.constant 0 : i32
        %dma_wait3A_74 = tpu.memref_slice %arg4[%mul3A_2, %dma_wait3A_73] : memref<204800x128xf32, #tpu.memory_space<hbm>> -> memref<128x128xf32, #tpu.memory_space<hbm>>
        %dma_wait3A_75 = arith.constant 0 : i32
        %dma_wait3A_76 = tpu.memref_slice %arg4[%mul3A_2, %dma_wait3A_75] : memref<204800x128xf32, #tpu.memory_space<hbm>> -> memref<128x128xf32, #tpu.memory_space<hbm>>
        tpu.wait_dma2 semaphore(%arg11 : memref<!tpu.dma_semaphore, #tpu.memory_space<semaphore_mem>>) src(%arg7 : memref<128x128xf32, #tpu.memory_space<vmem>>) dst(%dma_wait3A_76 : memref<128x128xf32, #tpu.memory_space<hbm>>)
        %add3A_77 = arith.constant 3 : i32
        %add3A_78 = arith.addi %add3A_31, %add3A_77 : i32
        %mul3A_79 = arith.constant 128 : i32
        %mul3A_80 = arith.muli %add3A_78, %mul3A_79 : i32
        %dma_start3A_81 = arith.constant 0 : i32
        %dma_start3A_82 = tpu.memref_slice %arg5[%dma_start3A_81, %mul3A_80] : memref<1x6400xi32, #tpu.memory_space<vmem>> -> memref<1x128xi32, #tpu.memory_space<vmem>>
        %dma_start3A_83 = tpu.memref_squeeze %dma_start3A_82 : memref<1x128xi32, #tpu.memory_space<vmem>> -> memref<128xi32, #tpu.memory_space<vmem>>
        %dma_start3A_84 = arith.constant 0 : i32
        %dma_start3A_85 = arith.constant 0 : i32
        %dma_start3A_86 = tpu.memref_slice %arg2[%dma_start3A_84, %dma_start3A_85] : memref<500000x128xf32, #tpu.memory_space<hbm>> -> memref<500000x128xf32, #tpu.memory_space<hbm>>
        tpu.enqueue_indirect_dma source(%dma_start3A_86 : memref<500000x128xf32, #tpu.memory_space<hbm>>) target(%arg7 : memref<128x128xf32, #tpu.memory_space<vmem>>) offsets(%dma_start3A_83 : memref<128xi32, #tpu.memory_space<vmem>>) semaphore(%arg9 : memref<!tpu.dma_semaphore, #tpu.memory_space<semaphore_mem>>)
      } else {
      }
    }
    %scan3A_19 = arith.constant 25 : i32
    %dma_wait3A = arith.constant 0 : i32
    %dma_wait3A_20 = tpu.memref_slice %arg4[%mul3A_2, %dma_wait3A] : memref<204800x128xf32, #tpu.memory_space<hbm>> -> memref<128x128xf32, #tpu.memory_space<hbm>>
    %dma_wait3A_21 = arith.constant 0 : i32
    %dma_wait3A_22 = tpu.memref_slice %arg4[%mul3A_2, %dma_wait3A_21] : memref<204800x128xf32, #tpu.memory_space<hbm>> -> memref<128x128xf32, #tpu.memory_space<hbm>>
    tpu.wait_dma2 semaphore(%arg10 : memref<!tpu.dma_semaphore, #tpu.memory_space<semaphore_mem>>) src(%arg6 : memref<128x128xf32, #tpu.memory_space<vmem>>) dst(%dma_wait3A_22 : memref<128x128xf32, #tpu.memory_space<hbm>>)
    %dma_wait3A_23 = arith.constant 0 : i32
    %dma_wait3A_24 = tpu.memref_slice %arg4[%mul3A_2, %dma_wait3A_23] : memref<204800x128xf32, #tpu.memory_space<hbm>> -> memref<128x128xf32, #tpu.memory_space<hbm>>
    %dma_wait3A_25 = arith.constant 0 : i32
    %dma_wait3A_26 = tpu.memref_slice %arg4[%mul3A_2, %dma_wait3A_25] : memref<204800x128xf32, #tpu.memory_space<hbm>> -> memref<128x128xf32, #tpu.memory_space<hbm>>
    tpu.wait_dma2 semaphore(%arg11 : memref<!tpu.dma_semaphore, #tpu.memory_space<semaphore_mem>>) src(%arg7 : memref<128x128xf32, #tpu.memory_space<vmem>>) dst(%dma_wait3A_26 : memref<128x128xf32, #tpu.memory_space<hbm>>)
    return
  }
}

module attributes {stable_mosaic.version = 14 : i64} {
  func.func @_fmt_body(%arg0: i32, %arg1: memref<64x8192xf32, #tpu.memory_space<vmem>>, %arg2: memref<4096x128xf32, #tpu.memory_space<vmem>>) attributes {dimension_semantics = [#tpu.dimension_semantics<arbitrary>], iteration_bounds = array<i64: 123>, scalar_prefetch = 0 : i64, scratch_operands = 0 : i64, tpu.core_type = #tpu.core_type<tc>, window_params = [{transform_indices = @transform_0, window_bounds = array<i64: 64, 8192>}, {transform_indices = @transform_1, window_bounds = array<i64: 4096, 128>}]} {
    %get3A = arith.constant 0 : index
    %get3A_0 = arith.constant 0 : index
    %get3A_1 = vector.load %arg1[%get3A, %get3A_0] : memref<64x8192xf32, #tpu.memory_space<vmem>>, vector<64x8192xf32>
    %transpose3A = tpu.transpose %get3A_1, [1, 0] : vector<64x8192xf32> -> vector<8192x64xf32>
    %reshape3A = vector.shape_cast %transpose3A : vector<8192x64xf32> to vector<4096x2x64xf32>
    %slice3A = vector.extract_strided_slice %reshape3A {offsets = [0, 0, 0], sizes = [4096, 1, 64], strides = [1, 1, 1]} : vector<4096x2x64xf32> to vector<4096x1x64xf32>
    %squeeze3A = vector.shape_cast %slice3A : vector<4096x1x64xf32> to vector<4096x64xf32>
    %swap3A = arith.constant 0 : index
    %swap3A_2 = arith.constant 0 : index
    %swap3A_3 = vector.load %arg2[%swap3A, %swap3A_2] : memref<4096x128xf32, #tpu.memory_space<vmem>>, vector<4096x64xf32>
    tpu.vector_store %arg2[%swap3A, %swap3A_2], %squeeze3A {strides = array<i32>} : memref<4096x128xf32, #tpu.memory_space<vmem>>, vector<4096x64xf32>,
    %slice3A_4 = vector.extract_strided_slice %reshape3A {offsets = [0, 1, 0], sizes = [4096, 1, 64], strides = [1, 1, 1]} : vector<4096x2x64xf32> to vector<4096x1x64xf32>
    %squeeze3A_5 = vector.shape_cast %slice3A_4 : vector<4096x1x64xf32> to vector<4096x64xf32>
    %swap3A_6 = arith.constant 0 : index
    %swap3A_7 = arith.constant 64 : index
    %swap3A_8 = vector.load %arg2[%swap3A_6, %swap3A_7] : memref<4096x128xf32, #tpu.memory_space<vmem>>, vector<4096x64xf32>
    tpu.vector_store %arg2[%swap3A_6, %swap3A_7], %squeeze3A_5 {strides = array<i32>} : memref<4096x128xf32, #tpu.memory_space<vmem>>, vector<4096x64xf32>,
    return
  }
  func.func @transform_0(%arg0: i32) -> (i32, i32) {
    %c0_i32 = arith.constant 0 : i32
    %c0_i32_0 = arith.constant 0 : i32
    return %c0_i32, %arg0 : i32, i32
  }
  func.func @transform_1(%arg0: i32) -> (i32, i32) {
    %c0_i32 = arith.constant 0 : i32
    %c0_i32_0 = arith.constant 0 : i32
    return %arg0, %c0_i32 : i32, i32
  }
}

module attributes {stable_mosaic.version = 14 : i64} {
  func.func @_fixup_body(%arg0: i32, %arg1: memref<8192x128xf32, #tpu.memory_space<vmem>>, %arg2: memref<8x1024xi32, #tpu.memory_space<vmem>>, %arg3: memref<8x64xf32, #tpu.memory_space<vmem>>, %arg4: memref<8x64x1024xf32, #tpu.memory_space<vmem>>) attributes {dimension_semantics = [#tpu.dimension_semantics<arbitrary>], iteration_bounds = array<i64: 25>, scalar_prefetch = 0 : i64, scratch_operands = 0 : i64, tpu.core_type = #tpu.core_type<tc>, window_params = [{transform_indices = @transform_0, window_bounds = array<i64: 8192, 128>}, {transform_indices = @transform_1, window_bounds = array<i64: 8, 1024>}, {transform_indices = @transform_2, window_bounds = array<i64: 8, 64>}, {transform_indices = @transform_3, window_bounds = array<i64: 8, 64, 1024>}]} {
    %get3A = arith.constant 0 : index
    %get3A_0 = arith.constant 0 : index
    %get3A_1 = vector.load %arg1[%get3A, %get3A_0] : memref<8192x128xf32, #tpu.memory_space<vmem>>, vector<8192x128xf32>
    %reshape3A = vector.shape_cast %get3A_1 : vector<8192x128xf32> to vector<8x1024x128xf32>
    %transpose3A = tpu.transpose %reshape3A, [0, 2, 1] : vector<8x1024x128xf32> -> vector<8x128x1024xf32>
    %slice3A = vector.extract_strided_slice %transpose3A {offsets = [0, 0, 0], sizes = [8, 64, 1024], strides = [1, 1, 1]} : vector<8x128x1024xf32> to vector<8x64x1024xf32>
    %slice3A_2 = vector.extract_strided_slice %transpose3A {offsets = [0, 64, 0], sizes = [8, 64, 1024], strides = [1, 1, 1]} : vector<8x128x1024xf32> to vector<8x64x1024xf32>
    %get3A_3 = arith.constant 0 : index
    %get3A_4 = arith.constant 0 : index
    %get3A_5 = vector.load %arg2[%get3A_3, %get3A_4] : memref<8x1024xi32, #tpu.memory_space<vmem>>, vector<8x1024xi32>
    %ne3A = arith.constant 0 : i32
    %ne3A_6 = vector.broadcast %ne3A : i32 to vector<8x1024xi32>
    %ne3A_7 = arith.cmpi ne, %get3A_5, %ne3A_6 : vector<8x1024xi32>
    %broadcast_in_dim3A = vector.shape_cast %ne3A_7 : vector<8x1024xi1> to vector<8x1x1024xi1>
    %get3A_8 = arith.constant 0 : index
    %get3A_9 = arith.constant 0 : index
    %get3A_10 = vector.load %arg3[%get3A_8, %get3A_9] : memref<8x64xf32, #tpu.memory_space<vmem>>, vector<8x64xf32>
    %broadcast_in_dim3A_11 = vector.shape_cast %get3A_10 : vector<8x64xf32> to vector<8x64x1xf32>
    %broadcast_in_dim3A_12 = vector.shape_cast %broadcast_in_dim3A : vector<8x1x1024xi1> to vector<8x1x1024xi1>
    %broadcast_in_dim3A_13 = vector.broadcast %broadcast_in_dim3A_12 : vector<8x1x1024xi1> to vector<8x64x1024xi1>
    %select_n3A = arith.select %broadcast_in_dim3A_13, %slice3A_2, %slice3A : vector<8x64x1024xi1>, vector<8x64x1024xf32>
    %mul3A = arith.constant 8.000000e+00 : f32
    %mul3A_14 = vector.broadcast %mul3A : f32 to vector<8x64x1024xf32>
    %mul3A_15 = arith.mulf %select_n3A, %mul3A_14 : vector<8x64x1024xf32>
    %add3A = vector.broadcast %broadcast_in_dim3A_11 : vector<8x64x1xf32> to vector<8x64x1024xf32>
    %add3A_16 = arith.addf %mul3A_15, %add3A : vector<8x64x1024xf32>
    %swap3A = arith.constant 0 : index
    %swap3A_17 = arith.constant 0 : index
    %swap3A_18 = arith.constant 0 : index
    %swap3A_19 = vector.load %arg4[%swap3A, %swap3A_17, %swap3A_18] : memref<8x64x1024xf32, #tpu.memory_space<vmem>>, vector<8x64x1024xf32>
    tpu.vector_store %arg4[%swap3A, %swap3A_17, %swap3A_18], %add3A_16 {strides = array<i32>} : memref<8x64x1024xf32, #tpu.memory_space<vmem>>, vector<8x64x1024xf32>,
    return
  }
  func.func @transform_0(%arg0: i32) -> (i32, i32) {
    %c0_i32 = arith.constant 0 : i32
    %c0_i32_0 = arith.constant 0 : i32
    return %arg0, %c0_i32 : i32, i32
  }
  func.func @transform_1(%arg0: i32) -> (i32, i32) {
    %c0_i32 = arith.constant 0 : i32
    %c0_i32_0 = arith.constant 0 : i32
    return %arg0, %c0_i32 : i32, i32
  }
  func.func @transform_2(%arg0: i32) -> (i32, i32) {
    %c0_i32 = arith.constant 0 : i32
    %c0_i32_0 = arith.constant 0 : i32
    return %arg0, %c0_i32 : i32, i32
  }
  func.func @transform_3(%arg0: i32) -> (i32, i32, i32) {
    %c0_i32 = arith.constant 0 : i32
    %c0_i32_0 = arith.constant 0 : i32
    %c0_i32_1 = arith.constant 0 : i32
    return %arg0, %c0_i32, %c0_i32_0 : i32, i32, i32
  }
}

</mosaic_0001>

<sc_bundles>
// kernel: kernel.5.cloned.1.call-start
scs
__scs_entry_jumppad:
0x0: {  	(pc) =	sbr.rel $0x88, $3  }
0x1: {  	(tag) =	ssettag $0x0;
	lr =	simm.s32 $0x1  }
0x2: {  	[smem:$0x3F9F] =	sst lr;
	_ =	strace $0xD0000000  }
0x3: {  	_ = 	snop  }
0x4: {  	_ = 	snop  }
0x5: {  	_ = 	snop  }
0x6: {  	_ = 	snop  }
0x7: {  	_ = 	snop  }
__scs_overlays_trampoline_lowered:
0x8: {  	[smem:$0x3FAE] =	sst s0  }
0x9: {  	[smem:$0x3FAF] =	sst s1  }
0xa: {  	[smem:$0x3FB0] =	sst s2  }
0xb: {  	[smem:$0x3FB1] =	sst s3  }
0xc: {  	[smem:$0x3FB2] =	sst s4  }
0xd: {  	[smem:$0x3FB3] =	sst s5  }
0xe: {  	[smem:$0x3FB4] =	sst s6  }
0xf: {  	[smem:$0x3FB5] =	sst s7  }
0x10: {  	[smem:$0x3FB6] =	sst s8  }
0x11: {  	[smem:$0x3FB7] =	sst s9;
	s0 =	simm.s32 @!p0 $0x0  }
0x12: {  	s1 =	sld [smem:$0x3F9D];
	s0 =	simm.s32 @p0 $0x1  }
0x13: {  	[smem:$0x3FB8] =	sst s0;
	s0 =	simm.s32 @!p1 $0x0  }
0x14: {  	s2 =	sld [smem:$0x3F9C];
	s0 =	simm.s32 @p1 $0x1  }
0x15: {  	[smem:$0x3FB9] =	sst s0;
	s0 =	simm.s32 @!p2 $0x0  }
0x16: {  	s3 =	sld [smem:$0x3FDB];
	s0 =	simm.s32 @p2 $0x1  }
0x17: {  	s4 =	simm.s32 $0x1BF5;
	[smem:$0x3FBB] =	sst s0  }
0x18: {  	s0 =	sld [smem:$0x3F9E];
	_ =	swait.ge [sflag:s4], $0x0  }
0x19: {  	s7 =	sld [smem:$0x3F9F]  }
0x1a: {  	s8 =	sadd.s32 $0xFFFFE003, lr  }
0x1b: {  	s9 =	sadd.s32 $0xFFFFFEF7, lr;
	s5 =	simm.s32 $0xFFFFFFFF;
	p2 =	slt.u32 s8, $0xFFFFF086  }
0x1c: {  	p1 =	slt.u32 s9, $0xF7A;
	s5 =	simm.s32 @!p2 $0x0  }
0x1d: {  	s5 =	simm.s32 @p1 $0x1;
	p0 =	seq.s32 s7, s2  }
0x1e: {  	s7 =	smul.u32 @!p0 $0xF7A, s2;
	p2 =	seq.s32 @!p0 s5, $0x0  }
0x1f: {  	s9 =	smul.u32 $0xF7A, s1;
	s8 =	simm.s32 @!p0 $0x1BF5;
	p2 =	por !p2, p0  }
0x20: {  	[sflag:s8] =	ssyncset.s32 @!p0 $0xFFFFF086;
	s6 =	sadd.s32 @!p0 s3, s7;
	s7 =	simm.s32 @!p0 $0x108  }
0x21: {  	s3 =	sadd.s32 s3, s9;
	s6 =	sadd.s32 @!p0 $0x88, s6;
	s7 =	simm.s32 @p2 $0x1082  }
0x22: {  	[simem:s7], [sflag:s8] =	dma.local @!p0 [hbm:s6], $0xF7A  }
0x23: {  	s9 =	sor.u32 $0xD0000000, s2;
	s6 =	simm.s32 $0x108;
	_ =	swait.ge @!p0 [sflag:s8], $0x0  }
0x24: {  	s3 =	sadd.s32 $0x88, s3;
	s6 =	simm.s32 @!p1 $0x1082;
	[sflag:s4] =	ssyncset.s32 $0xFFFFF086  }
0x25: {  	[simem:s6], [sflag:s4] =	dma.local [hbm:s3], $0xF7A  }
0x26: {  	[smem:$0x3F9F] =	sst s1;
	(tag) =	ssettag s2;
	_ =	strace s9  }
0x27: {  	s1 =	sld [smem:$0x3FAF]  }
0x28: {  	s2 =	sld [smem:$0x3FB0]  }
0x29: {  	s4 =	sld [smem:$0x3FB2]  }
0x2a: {  	p0 =	seq.s32 s5, $0x0;
	s5 =	sld [smem:$0x3FB3]  }
0x2b: {  	s6 =	sld [smem:$0x3FB4]  }
0x2c: {  	s7 =	sld [smem:$0x3FB5]  }
0x2d: {  	s3 =	simm.s32 $0x108;
	s8 =	sld [smem:$0x3FB6]  }
0x2e: {  	s3 =	simm.s32 @!p0 $0x1082;
	s9 =	sld [smem:$0x3FB7]  }
0x2f: {  	lr =	sadd.s32 s0, s3;
	s0 =	sld [smem:$0x3FAE]  }
0x30: {  	s3 =	sld [smem:$0x3FB1]  }
0x31: {  	[smem:$0x3FBA] =	sst s10  }
0x32: {  	s10 =	sld [smem:$0x3FB8];
	_ =	sdelay $0x3  }
0x33: {  	p0 =	seq.s32 s10, $0x1;
	s10 =	sld [smem:$0x3FBA];
	_ =	sdelay $0x3  }
0x34: {  	[smem:$0x3FBA] =	sst s10  }
0x35: {  	s10 =	sld [smem:$0x3FB9];
	_ =	sdelay $0x3  }
0x36: {  	p1 =	seq.s32 s10, $0x1;
	s10 =	sld [smem:$0x3FBA];
	_ =	sdelay $0x3  }
0x37: {  	[smem:$0x3FBA] =	sst s10  }
0x38: {  	s10 =	sld [smem:$0x3FBB]  }
0x39: {  	_ = 	snop;
	(pc) =	sbr.ind lr, $3  }
0x3a: {  	_ = 	snop  }
0x3b: {  	_ = 	snop  }
0x3c: {  	p2 =	seq.s32 s10, $0x1;
	s10 =	sld [smem:$0x3FBA]  }
0x3d: {  	_ =	shalt  }
0x3e: {  	_ =	shalt  }
0x3f: {  	_ =	shalt  }
0x40: {  	_ =	shalt  }
0x41: {  	_ =	shalt  }
0x42: {  	_ =	shalt  }
0x43: {  	_ =	shalt  }
0x44: {  	_ =	shalt  }
0x45: {  	_ =	shalt  }
0x46: {  	_ =	shalt  }
0x47: {  	_ =	shalt  }
0x48: {  	_ =	shalt  }
0x49: {  	_ =	shalt  }
0x4a: {  	_ =	shalt  }
0x4b: {  	_ =	shalt  }
0x4c: {  	_ =	shalt  }
0x4d: {  	_ =	shalt  }
0x4e: {  	_ =	shalt  }
0x4f: {  	_ =	shalt  }
0x50: {  	_ =	shalt  }
0x51: {  	_ =	shalt  }
0x52: {  	_ =	shalt  }
0x53: {  	_ =	shalt  }
0x54: {  	_ =	shalt  }
0x55: {  	_ =	shalt  }
0x56: {  	_ =	shalt  }
0x57: {  	_ =	shalt  }
0x58: {  	_ =	shalt  }
0x59: {  	_ =	shalt  }
0x5a: {  	_ =	shalt  }
0x5b: {  	_ =	shalt  }
0x5c: {  	_ =	shalt  }
0x5d: {  	_ =	shalt  }
0x5e: {  	_ =	shalt  }
0x5f: {  	_ =	shalt  }
0x60: {  	_ =	shalt  }
0x61: {  	_ =	shalt  }
0x62: {  	_ =	shalt  }
0x63: {  	_ =	shalt  }
0x64: {  	_ =	shalt  }
0x65: {  	_ =	shalt  }
0x66: {  	_ =	shalt  }
0x67: {  	_ =	shalt  }
0x68: {  	_ =	shalt  }
0x69: {  	_ =	shalt  }
0x6a: {  	_ =	shalt  }
0x6b: {  	_ =	shalt  }
0x6c: {  	_ =	shalt  }
0x6d: {  	_ =	shalt  }
0x6e: {  	_ =	shalt  }
0x6f: {  	_ =	shalt  }
0x70: {  	_ =	shalt  }
0x71: {  	_ =	shalt  }
0x72: {  	_ =	shalt  }
0x73: {  	_ =	shalt  }
0x74: {  	_ =	shalt  }
0x75: {  	_ =	shalt  }
0x76: {  	_ =	shalt  }
0x77: {  	_ =	shalt  }
0x78: {  	_ =	shalt  }
0x79: {  	_ =	shalt  }
0x7a: {  	_ =	shalt  }
0x7b: {  	_ =	shalt  }
0x7c: {  	_ =	shalt  }
0x7d: {  	_ =	shalt  }
0x7e: {  	_ =	shalt  }
0x7f: {  	_ =	shalt  }
0x80: {  	_ =	shalt  }
0x81: {  	_ =	shalt  }
0x82: {  	_ =	shalt  }
0x83: {  	_ =	shalt  }
0x84: {  	_ =	shalt  }
0x85: {  	_ =	shalt  }
0x86: {  	_ =	shalt  }
0x87: {  	_ =	shalt  }
.Lfunc_end0:
.L_simem_size_0:
called_computation_lowered:
.L_overlay_start_0:
0x88: {  	s2 =	sld [smem:$0x3FD9]  }
0x89: {  	s3 =	sld [smem:$0x3FFE];
	_ =	sdelay $0x1  }
0x8a: {  	s1 =	srdreg.scid  }
0x8b: {  	s0 =	sand.u32 $0x1, s1  }
0x8c: {  	s16 =	sshll.u32 s0, $0xA;
	s2 =	sadd.s32 s3, s2  }
0x8d: {  	s2 =	sadd.s32 s2, s16  }
0x8e: {  	[smem:$0x3FC6] =	sst s2  }
0x8f: {  	_ = 	snop  }
0x90: {  	(tm) =	ssettm $0x1  }
0x91: {  	s17 =	sld [smem:$0x3FFB];
	_ =	sdelay $0x3  }
0x92: {  	_ =	strace s17  }
0x93: {  	s2 =	sld [smem:$0x3FFC];
	_ =	sdelay $0x3  }
0x94: {  	_ =	strace s2  }
0x95: {  	s2 =	sld [smem:$0x3FFD];
	_ =	sdelay $0x3  }
0x96: {  	_ =	strace s2  }
0x97: {  	_ =	strace $0x8FFFFFFF  }
0x98: {  	s18 =	sld [smem:$0x3FDB];
	_ =	sdelay $0x1  }
0x99: {  	s19 =	simm.s32 $_scs_section_size  }
0x9a: {  	s4 =	simm.s32 $_size__tile_overlayer_lowered;
	s5 =	simm.s32 $_tile_overlayer_lowered  }
0x9b: {  	s22 =	simm.s32 $0x1BFF;
	s21 =	sshll.u32 s5, $0x1;
	s2 =	sadd.s32 s19, s18  }
0x9c: {  	s6 =	simm.s32 $0x0;
	s20 =	sshll.u32 s4, $0x1;
	s4 =	sadd.s32 s21, s2  }
0x9d: {  	[timem:s6], [sflag:s22] =	dma.local [hbm:s4], s20  }
0x9e: {  	_ =	swait.ge [sflag:s22], s20  }
0x9f: {  	s3 =	ssub.s32 $0x0, s20;
	[sflag:s22] =	ssyncset.done $0x0  }
0xa0: {  	[sflag:s22] =	ssyncadd.s32 s3;
	_ =	sdelay $0x1  }
0xa1: {  	s23 =	simm.s32 $0x1B8B  }
0xa2: {  	_ =	swait.ge [sflag:s23], $0x1  }
0xa3: {  	[sflag:s23] =	ssyncset.done $0x0  }
0xa4: {  	s25 =	simm.s32 $0x1B8E;
	s24 =	sld [smem:$0x3FFE];
	[sflag:s23] =	ssyncadd.s32 $0xFFFFFFFF  }
0xa5: {  	s26 =	simm.s32 $execute0_lowered;
	[smem:$0x3FD2] =	sst s25  }
0xa6: {  	s4 =	sshll.u32 s26, $0x1;
	_ =	strace $0x80000046;
	[dreg:$0x1] =	wrdreg $0xFFFFFFFF  }
0xa7: {  	s28 =	simm.s32 $_size_execute0_lowered;
	s2 =	sadd.s32 s2, s4;
	[dreg:$0x0] =	wrdreg $0x0  }
0xa8: {  	s4 =	sshll.u32 s28, $0x1;
	[dreg:$0x2] =	wrdreg s2  }
0xa9: {  	[dreg:$0x3] =	wrdreg s4  }
0xaa: {  	[dreg:$0x4] =	wrdreg $0xC0  }
0xab: {  	_ =	task [dreg:s6], $0x5FFFF  }
0xac: {  	[dreg:$0x1] =	wrdreg $0xFFFFFFFF  }
0xad: {  	[dreg:$0x0] =	wrdreg $0x60  }
0xae: {  	[dreg:$0x2] =	wrdreg s24  }
0xaf: {  	[dreg:$0x3] =	wrdreg $0x9  }
0xb0: {  	_ =	task.clear_ibuf [dreg:s6], $0x4FFFF;
	_ =	strace $0x90000046  }
0xb1: {  	s29 =	simm.s32 $0x9;
	_ =	strace $0x80000048  }
0xb2: {  	_ =	swait.ge [sflag:s29], $0x1  }
0xb3: {  	[sflag:s29] =	ssyncadd.s32 $0xFFFFFFFF  }
0xb4: {  	_ =	strace $0x90000048  }
0xb5: {  	_ =	sfence  }
0xb6: {  	s30 =	sld [smem:$0x0];
	_ =	sdelay $0x2  }
0xb7: {  	s31 =	sshll.u32 s1, $0xD;
	s1 =	sshrl.u32 s1, $0x2  }
0xb8: {  	s3 =	sand.u32 $0x4000, s31;
	s1 =	sadd.s32 s1, s30  }
0xb9: {  	s0 =	sor.u32 s3, s0;
	s1 =	sshll.u32 s1, $0x11  }
0xba: {  	s0 =	sor.u32 s1, s0  }
0xbb: {  	s0 =	sadd.s32 $0x8F2B, s0  }
0xbc: {  	[sflag:s0] =	ssyncadd.remote.s32 $0x1  }
0xbd: {  	_ =	sfence.sel $0xFFFF  }
0xbe: {  	[dreg:$0x0] =	wrdreg $0xFFFFFFFF;
	(pc) =	sbr.abs _section_cstart, $3  }
0xbf: {  	[dreg:$0x1] =	wrdreg $0xFFFFFFFF  }
0xc0: {  	_ =	task.clear_ibuf [dreg:s6], $0x2FFFF;
	_ =	strace $0x9FFFFFFF  }
0xc1: {  	(tm) =	ssettm $0x7FFFFFFF  }
tec
execute0_lowered:
.L_overlay_start_1:
0x0: {  	(tag) =	ssettag $0x1  }
0x1: {  	s0 =	srdreg.scid  }
0x2: {  	s5 =	rddreg [dreg:$0x0];
	s1 =	stileid.u32  }
0x3: {  	s2 =	simm.s32 $0x0;
	s13 =	simm.s32 $0x5900;
	s14 =	simm.s32 $0x1  }
0x4: {  	s15 =	simm.s32 $0x2;
	s16 =	simm.s32 $0x3;
	s17 =	simm.s32 $0x4  }
0x5: {  	s4 =	sand.u32 $0x1, s0;
	s0 =	rddreg [dreg:$0x1];
	s28 =	smul.u32 $0xC8000, s1  }
0x6: {  	s18 =	simm.s32 $0x0;
	[smem:$0x7FF] =	sst s2;
	s29 =	smul.u32 $0x19000, s1  }
0x7: {  	s12 =	sadd.s32 $0x7A8000, s5;
	s3 =	sshll.u32 s4, $0x4;
	s11 =	smul.u32 $0x190000, s4  }
0x8: {  	_ =	strace $0x80000047;
	s25 =	smul.u32 $0xC80000, s4;
	s6 =	sor.u32 s1, s3  }
0x9: {  	s9 =	ssub.s32 $0x2, s4;
	s3 =	sadd.s32 $0x6E00, s5;
	s7 =	smul.u32 $0x320, s6  }
0xa: {  	s23 =	sshrl.u32 s9, $0x1;
	s8 =	smul.u32 $0xC8000, s6;
	s11 =	sadd.s32 s11, s12  }
0xb: {  	s10 =	smul.u32 $0x19000, s6;
	s24 =	ssub.s32 s9, s23;
	s9 =	sadd.s32 s29, s11  }
0xc: {  	s11 =	simm.s32 $0x80;
	s22 =	sadd.s32 s7, s5;
	s26 =	sshrl.u32 s8, $0x3  }
0xd: {  	s5 =	smax.u32 s24, $0x1;
	s7 =	sadd.s32 s28, s25;
	s30 =	sadd.s32 s10, s12  }
0xe: {  	s8 =	sadd.s32 $0x800, s9;
	s10 =	simm.s32 $0x5;
	s4 =	sadd.s32 $0xA00, s22  }
0xf: {  	s6 =	sadd.s32 s12, s26;
	s31 =	sshrl.u32 s7, $0x3;
	s7 =	sadd.s32 $0x18800, s30  }
0x10: {  	s6 =	sadd.s32 $0x18000, s6;
	s9 =	sadd.s32 s31, s12;
	s12 =	simm.s32 $0x1900  }
.LBB2_1:
0x11: {  	[tilespmem:s2], [sflag:$0x5] =	stream.linear.gather [hbm4b:s4+s2], $0x1900, $0x38;
	[tilespmem:$0x9900] =	vst v63  }
0x12: {  	_ =	swait.ge [sflag:s10], $0x1900  }
0x13: {  	[sflag:s10] =	ssyncset.done $0x0  }
0x14: {  	[sflag:s10] =	ssyncadd.s32 $0xFFFFE700  }
0x15: {  	[tilespmem:s12], [sflag:$0x1] =	stream.indirect.gather [hbm4b:s3+s11], $0x80, s2, s11, $0xb8;
	[tilespmem:$0x9900] =	vst v63  }
0x16: {  	_ = 	snop  }
0x17: {  	[tilespmem:s13], [sflag:$0x2] =	stream.indirect.gather [hbm4b:s3+s11], $0x80, s11, s11, $0xb8;
	[tilespmem:$0x9900] =	vst v63  }
0x18: {  	_ =	swait.ge [sflag:s14], $0x4000  }
0x19: {  	[sflag:s14] =	ssyncset.done $0x0  }
0x1a: {  	s19 =	sadd.s32 $0x0, s9;
	[sflag:s14] =	ssyncadd.s32 $0xFFFFC000  }
0x1b: {  	[hbm4b:s19+s2] =	stream.linear.scatter [tilespmem:s12], [sflag:$0x3], $0x4000, $0x38;
	[tilespmem:$0x9900] =	vst v63  }
0x1c: {  	_ =	swait.ge [sflag:s15], $0x4000  }
0x1d: {  	[sflag:s15] =	ssyncset.done $0x0  }
0x1e: {  	s30 =	sadd.s32 $0x0, s8;
	[sflag:s15] =	ssyncadd.s32 $0xFFFFC000  }
0x1f: {  	[hbm4b:s30+s2] =	stream.linear.scatter [tilespmem:s13], [sflag:$0x4], $0x4000, $0x38;
	[tilespmem:$0x9900] =	vst v63  }
0x20: {  	_ =	swait.ge [sflag:s16], $0x4000  }
0x21: {  	[sflag:s16] =	ssyncset.done $0x0  }
0x22: {  	s31 =	simm.s32 $0x100;
	[sflag:s16] =	ssyncadd.s32 $0xFFFFC000  }
0x23: {  	[tilespmem:s12], [sflag:$0x1] =	stream.indirect.gather [hbm4b:s3+s11], $0x80, s31, s11, $0xb8;
	[tilespmem:$0x9900] =	vst v63  }
0x24: {  	_ =	swait.ge [sflag:s17], $0x4000  }
0x25: {  	s20 =	simm.s32 $0x1000;
	[sflag:s17] =	ssyncset.done $0x0  }
0x26: {  	s21 =	simm.s32 $0x280;
	s19 =	simm.s32 $0x180;
	[sflag:s17] =	ssyncadd.s32 $0xFFFFC000  }
.LBB2_2:
0x27: {  	[tilespmem:s13], [sflag:$0x2] =	stream.indirect.gather [hbm4b:s3+s11], $0x80, s19, s11, $0xb8;
	[tilespmem:$0x9900] =	vst v63  }
0x28: {  	s22 =	smov.u32 s20;
	s19 =	smov.u32 s21  }
0x29: {  	p0 =	sne.s32 s20, $0x17000;
	s20 =	sadd.s32 $0x1000, s20;
	_ =	swait.ge [sflag:s14], $0x4000  }
0x2a: {  	[sflag:s14] =	ssyncset.done $0x0  }
0x2b: {  	s23 =	sadd.s32 s22, s9;
	[sflag:s14] =	ssyncadd.s32 $0xFFFFC000  }
0x2c: {  	[hbm4b:s23+s2] =	stream.linear.scatter [tilespmem:s12], [sflag:$0x3], $0x4000, $0x38;
	[tilespmem:$0x9900] =	vst v63  }
0x2d: {  	_ =	swait.ge [sflag:s15], $0x4000  }
0x2e: {  	[sflag:s15] =	ssyncset.done $0x0  }
0x2f: {  	s22 =	sadd.s32 s22, s8;
	[sflag:s15] =	ssyncadd.s32 $0xFFFFC000  }
0x30: {  	[hbm4b:s22+s2] =	stream.linear.scatter [tilespmem:s13], [sflag:$0x4], $0x4000, $0x38;
	[tilespmem:$0x9900] =	vst v63  }
0x31: {  	_ =	swait.ge [sflag:s16], $0x4000  }
0x32: {  	[sflag:s16] =	ssyncset.done $0x0  }
.Ltmp0:
0x33: {  	s22 =	sadd.s32 $0xFFFFFF80, s21;
	[sflag:s16] =	ssyncadd.s32 $0xFFFFC000;
	(pc) =	sbr.rel @p0 .LBB2_2-.Ltmp0, $4  }
0x34: {  	[tilespmem:s12], [sflag:$0x1] =	stream.indirect.gather [hbm4b:s3+s11], $0x80, s22, s11, $0xb8;
	[tilespmem:$0x9900] =	vst v63  }
0x35: {  	_ =	swait.ge [sflag:s17], $0x4000  }
0x36: {  	[sflag:s17] =	ssyncset.done $0x0  }
0x37: {  	s21 =	sadd.s32 $0x100, s21;
	[sflag:s17] =	ssyncadd.s32 $0xFFFFC000  }
0x38: {  	[tilespmem:s13], [sflag:$0x2] =	stream.indirect.gather [hbm4b:s3+s11], $0x80, s19, s11, $0xb8;
	[tilespmem:$0x9900] =	vst v63  }
0x39: {  	_ =	swait.ge [sflag:s14], $0x4000  }
0x3a: {  	[sflag:s14] =	ssyncset.done $0x0  }
0x3b: {  	[sflag:s14] =	ssyncadd.s32 $0xFFFFC000  }
0x3c: {  	[hbm4b:s6+s2] =	stream.linear.scatter [tilespmem:s12], [sflag:$0x3], $0x4000, $0x38;
	[tilespmem:$0x9900] =	vst v63  }
0x3d: {  	_ =	swait.ge [sflag:s15], $0x4000  }
0x3e: {  	[sflag:s15] =	ssyncset.done $0x0  }
0x3f: {  	s18 =	sadd.s32 $0x1, s18;
	[sflag:s15] =	ssyncadd.s32 $0xFFFFC000  }
0x40: {  	[hbm4b:s7+s2] =	stream.linear.scatter [tilespmem:s13], [sflag:$0x4], $0x4000, $0x38;
	[tilespmem:$0x9900] =	vst v63  }
0x41: {  	p0 =	sne.s32 s18, s5;
	_ =	swait.ge [sflag:s16], $0x4000  }
.Ltmp1:
0x42: {  	[sflag:s16] =	ssyncset.done $0x0;
	(pc) =	sbr.rel @p0 .LBB2_1-.Ltmp1, $4  }
0x43: {  	[sflag:s16] =	ssyncadd.s32 $0xFFFFC000  }
0x44: {  	_ =	swait.ge [sflag:s17], $0x4000  }
0x45: {  	[sflag:s17] =	ssyncset.done $0x0  }
0x46: {  	[sflag:s17] =	ssyncadd.s32 $0xFFFFC000  }
0x47: {  	_ =	sfence.sel $0x180000  }
0x48: {  	[bflag:$0x0] =	sbarrier.arrive $0xFFFF  }
0x49: {  	p0 =	sne.s32 s1, $0x0;
	_ =	strace $0x90000047  }
0x4a: {  	s0 =	sadd.s32 @!p0 $0x100000, s0;
	[bflag:$0x2] =	sbarrier.arrive $0xFFFF  }
0x4b: {  	[sflag:s0] =	ssyncadd.tile.s32 @!p0 $0x1;
	_ =	shalt  }
.Lfunc_end2:
_tile_overlayer_lowered:
.L_overlay_start_2:
0x4c: {  	(tag) =	ssettag $0x2  }
0x4d: {  	s0 =	rddreg [dreg:$0x0];
	s2 =	stileid.u32  }
0x4e: {  	s1 =	rddreg [dreg:$0x1];
	p0 =	sne.s32 s2, $0x0  }
0x4f: {  	s3 =	rddreg [dreg:$0x2];
	[bflag:$0x3] =	sbarrier.arrive $0xFFFF;
	s2 =	simm.s32 @!p0 $0x1C05  }
0x50: {  	[timem:s3], [sflag:s2] =	dma.local @!p0 [hbm:s0], s1  }
0x51: {  	s0 =	simm.s32 @!p0 $0x5  }
0x52: {  	_ =	swait.ge @!p0 [sflag:s0], s1  }
0x53: {  	s1 =	ssub.s32 @!p0 $0x0, s1;
	[sflag:s0] =	ssyncset.done @!p0 $0x0  }
0x54: {  	[sflag:s0] =	ssyncadd.s32 @!p0 s1  }
0x55: {  	[bflag:$0x3] =	sbarrier.arrive $0xFFFF  }
0x56: {  	_ =	shalt  }

</sc_bundles>
